<compile_context>
chip_gen: v7x
topology: tpu7x:2x2x1
jax: 0.10.2.dev20260603
libtpu: 0.0.44.dev20260713+nightly
codegen_flags: <defaults>
</compile_context>

<pallas_src>
import functools

import jax
import jax.numpy as jnp
from jax import lax
from jax.experimental import pallas as pl
from jax.experimental.pallas import tpu as pltpu
from jax.experimental.pallas import tpu_sc as plsc


def _make_probe(bb, t_total, up1, d):
    mesh = plsc.VectorSubcoreMesh(core_axis_name="c", subcore_axis_name="s")
    n_workers = 32
    per_w = (bb * t_total) // n_workers

    @functools.partial(
        pl.kernel, mesh=mesh,
        out_type=jax.ShapeDtypeStruct((n_workers, 16), jnp.float32),
        scratch_types=[
            pltpu.VMEM((4, up1, d), jnp.float32),
            pltpu.VMEM((16,), jnp.float32),
            pltpu.SemaphoreType.DMA((4,)),
        ],
    )
    def probe(hs_hbm, out_hbm, buf, out_v, sems):
        c = lax.axis_index("c")
        sid = lax.axis_index("s")
        wid = sid * 2 + c

        def copyi(i, slot):
            lin = wid * per_w + i
            b = lax.div(lin, t_total)
            t = lax.rem(lin, t_total)
            return pltpu.make_async_copy(
                hs_hbm.at[b, t], buf.at[slot], sems.at[slot])

        for w in range(3):
            copyi(w, w).start()

        def body(i, carry):
            nxt = i + 3

            @pl.when(nxt < per_w)
            def _():
                copyi(nxt, lax.rem(nxt, 4)).start()

            copyi(i, lax.rem(i, 4)).wait()
            return carry

        lax.fori_loop(0, per_w, body, 0)
        out_v[...] = jnp.zeros((16,), jnp.float32) + wid.astype(jnp.float32)
        pltpu.sync_copy(out_v, out_hbm.at[wid])

    return probe


def kernel(hs_pad, ys_pad, hlens, olens):
    bb, t_total, up1, d = hs_pad.shape
    out = _make_probe(bb, t_total, up1, d)(hs_pad)
    return jnp.sum(out)

# --- scband reference (transcript-rebuilt; emitter-appended) ---
"""Pipeline reference for scband-bayes-risk-transducer-85658827751485 (READ-ONLY COPY).

The authoritative reference and input builder live on the scoring server;
editing this copy changes nothing except your own understanding.
"""

import jax, jax.numpy as jnp
import numpy as np
from jax import lax

RISK_FACTOR = 0.1
RISK_START = 0.5
PAD_ID = 0

B, T, U, D = 4, 256, 50, 512


def setup_inputs(seed: int = 0) -> dict:
    key = jax.random.key(seed)
    k1, k2 = jax.random.split(key)
    hs_pad = jax.random.normal(k1, (B, T, U + 1, D), dtype=jnp.float32)
    # labels must be nonzero (!= pad_id) so that olens == count of non-pad labels
    ys_pad = jax.random.randint(k2, (B, U), 1, D, dtype=jnp.int32)
    hlens = jnp.full((B,), T, dtype=jnp.int32)
    olens = jnp.full((B,), U, dtype=jnp.int32)
    return {"hs_pad": hs_pad, "ys_pad": ys_pad, "hlens": hlens, "olens": olens}


def _alpha(blank, lab):
    # blank: [U+1, T] log-prob of blank; lab: [U, T] log-prob of label y[u] at frame t
    Up1, Tt = blank.shape
    # tau = 0: only label arcs (labels consume no acoustic frame)
    col0 = jnp.concatenate([jnp.zeros((1,), blank.dtype), jnp.cumsum(lab[:, 0])])

    def tau_step(prev, inp):
        blank_col, lab_col = inp  # blank[:, tau-1], lab[:, tau]
        base = prev + blank_col

        def u_step(c, x):
            b_u, l_u = x
            v = jnp.logaddexp(b_u, c + l_u)
            return v, v

        _, rest = lax.scan(u_step, base[0], (base[1:], lab_col))
        col = jnp.concatenate([base[:1], rest])
        return col, col

    xs = (blank[:, :-1].T, lab[:, 1:].T)  # tau = 1 .. T-1
    _, cols = lax.scan(tau_step, col0, xs)
    return jnp.concatenate([col0[None, :], cols], axis=0).T  # [U+1, T]


def _beta(blank, lab):
    Up1, Tt = blank.shape
    Uu = Up1 - 1
    # tau = T-1: final arc (score 0) from state U; only label arcs for u < U
    rev = jnp.cumsum(lab[::-1, Tt - 1])[::-1]
    colT = jnp.concatenate([rev, jnp.zeros((1,), blank.dtype)])

    def tau_step(nxt, inp):
        blank_col, lab_col = inp  # blank[:, tau], lab[:, tau]
        base = nxt + blank_col

        def u_step(c, x):
            b_u, l_u = x
            v = jnp.logaddexp(b_u, c + l_u)
            return v, v

        _, rest = lax.scan(u_step, base[Uu], (base[:-1][::-1], lab_col[::-1]))
        col = jnp.concatenate([rest[::-1], base[Uu:]])
        return col, col

    xs = (blank[:, :-1][:, ::-1].T, lab[:, :-1][:, ::-1].T)  # tau = T-2 .. 0
    _, cols = lax.scan(tau_step, colT, xs)
    cols = cols[::-1]
    return jnp.concatenate([cols, colT[None, :]], axis=0).T  # [U+1, T]


def _forward(hs_pad, ys_pad, hlens, olens):
    Bb, Tt, Up1, Dd = hs_pad.shape
    Uu = Up1 - 1
    # hs_pad.transpose(1, 2) then log_softmax over vocab
    lp = jax.nn.log_softmax(jnp.transpose(hs_pad, (0, 2, 1, 3)), axis=-1)  # [B, U+1, T, D]
    blank = lp[:, :, :, PAD_ID]  # [B, U+1, T]
    idx = jnp.broadcast_to(ys_pad[:, :, None, None].astype(jnp.int32), (Bb, Uu, Tt, 1))
    lab = jnp.take_along_axis(lp[:, :Uu], idx, axis=3)[..., 0]  # [B, U, T]
    alpha = jax.vmap(_alpha)(blank, lab)
    beta = jax.vmap(_beta)(blank, lab)
    # occupancy of lattice state 2(u+1) at acoustic frame t: label u+1 just emitted at t
    ls = alpha[:, :Uu, :] + lab + beta[:, 1:, :]  # [B, U, T]
    ls = jnp.concatenate([ls, jnp.full((Bb, Uu, 1), -jnp.inf, ls.dtype)], axis=2)  # [B, U, T+1]
    Tdim = Tt + 1
    risk = jnp.arange(1, Tdim + 1, dtype=ls.dtype)[None, None, :]
    risk = jnp.broadcast_to(risk, (Bb, Uu, Tdim))
    risk = jnp.maximum(risk - olens[:, None, None].astype(ls.dtype) * RISK_START, 0.0)
    risk = risk / hlens[:, None, None].astype(ls.dtype) * RISK_FACTOR
    ls = ls - risk  # loss_state + get_risk_scores (which returns -risk)
    loss_u = jax.scipy.special.logsumexp(ls, axis=2)  # [B, U]
    loss_fsas = loss_u[jnp.arange(Bb), olens - 1]  # 'transducer_ending'
    loss_fsas = jnp.where(jnp.isinf(loss_fsas), 0.0, loss_fsas)
    loss = -loss_fsas  # per-utterance loss; sort/unsort in torch is an identity on values
    return jnp.mean(loss)


def reference(hs_pad, ys_pad, hlens, olens):
    return _forward(hs_pad, ys_pad, hlens, olens)

if __name__ == "__main__":
    import jax
    _d = setup_inputs()
    print(jax.jit(kernel)(*tuple(_d.values())))

</pallas_src>

<mosaic_0001>
#map = affine_map<(d0, d1) -> (0, 0, 0, 0)>
#map1 = affine_map<(d0, d1) -> (0, 0)>
module attributes {stable_mosaic.version = 14 : i64} {
  func.func @probe(%arg0: i32, %arg1: i32, %arg2: memref<4x256x51x512xf32, #tpu.memory_space<hbm>>, %arg3: memref<32x16xf32, #tpu.memory_space<hbm>>, %arg4: memref<4x51x512xf32, #tpu.memory_space<vmem>>, %arg5: memref<16xf32, #tpu.memory_space<vmem>>, %arg6: memref<4x!tpu.dma_semaphore, #tpu.memory_space<semaphore_mem>>) attributes {dimension_semantics = [#tpu.dimension_semantics<core_parallel>, #tpu.dimension_semantics<subcore_parallel>], iteration_bounds = array<i64: 2, 16>, scalar_prefetch = 0 : i64, scratch_operands = 3 : i64, tpu.core_type = #tpu.core_type<sc_vector_subcore>, window_params = [{transform_indices = #map}, {transform_indices = #map1}]} {
    %mul3A = arith.constant 2 : i32
    %mul3A_0 = arith.muli %arg1, %mul3A : i32
    %add3A = arith.addi %mul3A_0, %arg0 : i32
    %mul3A_1 = arith.constant 32 : i32
    %mul3A_2 = arith.muli %add3A, %mul3A_1 : i32
    %add3A_3 = arith.constant 0 : i32
    %add3A_4 = arith.addi %mul3A_2, %add3A_3 : i32
    %div3A = arith.constant 256 : i32
    %div3A_5 = arith.divsi %add3A_4, %div3A : i32
    %rem3A = arith.constant 256 : i32
    %rem3A_6 = arith.remsi %add3A_4, %rem3A : i32
    %dma_start3A = arith.constant 0 : i32
    %dma_start3A_7 = arith.constant 0 : i32
    %dma_start3A_8 = arith.constant 0 : i32
    %dma_start3A_9 = arith.constant 0 : i32
    %dma_start3A_10 = tpu.memref_slice %arg4[%dma_start3A, %dma_start3A_8, %dma_start3A_9] : memref<4x51x512xf32, #tpu.memory_space<vmem>> -> memref<1x51x512xf32, #tpu.memory_space<vmem>>
    %dma_start3A_11 = tpu.memref_squeeze %dma_start3A_10 : memref<1x51x512xf32, #tpu.memory_space<vmem>> -> memref<51x512xf32, #tpu.memory_space<vmem>>
    %dma_start3A_12 = arith.constant 0 : i32
    %dma_start3A_13 = arith.constant 0 : i32
    %dma_start3A_14 = tpu.memref_slice %arg2[%div3A_5, %rem3A_6, %dma_start3A_12, %dma_start3A_13] : memref<4x256x51x512xf32, #tpu.memory_space<hbm>> -> memref<1x1x51x512xf32, #tpu.memory_space<hbm>>
    %dma_start3A_15 = tpu.memref_squeeze %dma_start3A_14 : memref<1x1x51x512xf32, #tpu.memory_space<hbm>> -> memref<51x512xf32, #tpu.memory_space<hbm>>
    %dma_start3A_16 = tpu.memref_slice %arg6[%dma_start3A_7] : memref<4x!tpu.dma_semaphore, #tpu.memory_space<semaphore_mem>> -> memref<1x!tpu.dma_semaphore, #tpu.memory_space<semaphore_mem>>
    %dma_start3A_17 = tpu.memref_squeeze %dma_start3A_16 : memref<1x!tpu.dma_semaphore, #tpu.memory_space<semaphore_mem>> -> memref<!tpu.dma_semaphore, #tpu.memory_space<semaphore_mem>>
    %dma_start3A_18 = arith.constant 0 : i32
    %dma_start3A_19 = arith.constant 0 : i32
    %dma_start3A_20 = tpu.memref_slice %arg4[%dma_start3A, %dma_start3A_18, %dma_start3A_19] : memref<4x51x512xf32, #tpu.memory_space<vmem>> -> memref<1x51x512xf32, #tpu.memory_space<vmem>>
    %dma_start3A_21 = tpu.memref_squeeze %dma_start3A_20 : memref<1x51x512xf32, #tpu.memory_space<vmem>> -> memref<51x512xf32, #tpu.memory_space<vmem>>
    %dma_start3A_22 = arith.constant 0 : i32
    %dma_start3A_23 = arith.constant 0 : i32
    %dma_start3A_24 = tpu.memref_slice %arg2[%div3A_5, %rem3A_6, %dma_start3A_22, %dma_start3A_23] : memref<4x256x51x512xf32, #tpu.memory_space<hbm>> -> memref<1x1x51x512xf32, #tpu.memory_space<hbm>>
    %dma_start3A_25 = tpu.memref_squeeze %dma_start3A_24 : memref<1x1x51x512xf32, #tpu.memory_space<hbm>> -> memref<51x512xf32, #tpu.memory_space<hbm>>
    tpu.enqueue_dma source(%dma_start3A_25 : memref<51x512xf32, #tpu.memory_space<hbm>>) target(%dma_start3A_21 : memref<51x512xf32, #tpu.memory_space<vmem>>) target_semaphore(%dma_start3A_17 : memref<!tpu.dma_semaphore, #tpu.memory_space<semaphore_mem>>)
    %mul3A_26 = arith.constant 32 : i32
    %mul3A_27 = arith.muli %add3A, %mul3A_26 : i32
    %add3A_28 = arith.constant 1 : i32
    %add3A_29 = arith.addi %mul3A_27, %add3A_28 : i32
    %div3A_30 = arith.constant 256 : i32
    %div3A_31 = arith.divsi %add3A_29, %div3A_30 : i32
    %rem3A_32 = arith.constant 256 : i32
    %rem3A_33 = arith.remsi %add3A_29, %rem3A_32 : i32
    %dma_start3A_34 = arith.constant 1 : i32
    %dma_start3A_35 = arith.constant 1 : i32
    %dma_start3A_36 = arith.constant 0 : i32
    %dma_start3A_37 = arith.constant 0 : i32
    %dma_start3A_38 = tpu.memref_slice %arg4[%dma_start3A_34, %dma_start3A_36, %dma_start3A_37] : memref<4x51x512xf32, #tpu.memory_space<vmem>> -> memref<1x51x512xf32, #tpu.memory_space<vmem>>
    %dma_start3A_39 = tpu.memref_squeeze %dma_start3A_38 : memref<1x51x512xf32, #tpu.memory_space<vmem>> -> memref<51x512xf32, #tpu.memory_space<vmem>>
    %dma_start3A_40 = arith.constant 0 : i32
    %dma_start3A_41 = arith.constant 0 : i32
    %dma_start3A_42 = tpu.memref_slice %arg2[%div3A_31, %rem3A_33, %dma_start3A_40, %dma_start3A_41] : memref<4x256x51x512xf32, #tpu.memory_space<hbm>> -> memref<1x1x51x512xf32, #tpu.memory_space<hbm>>
    %dma_start3A_43 = tpu.memref_squeeze %dma_start3A_42 : memref<1x1x51x512xf32, #tpu.memory_space<hbm>> -> memref<51x512xf32, #tpu.memory_space<hbm>>
    %dma_start3A_44 = tpu.memref_slice %arg6[%dma_start3A_35] : memref<4x!tpu.dma_semaphore, #tpu.memory_space<semaphore_mem>> -> memref<1x!tpu.dma_semaphore, #tpu.memory_space<semaphore_mem>>
    %dma_start3A_45 = tpu.memref_squeeze %dma_start3A_44 : memref<1x!tpu.dma_semaphore, #tpu.memory_space<semaphore_mem>> -> memref<!tpu.dma_semaphore, #tpu.memory_space<semaphore_mem>>
    %dma_start3A_46 = arith.constant 0 : i32
    %dma_start3A_47 = arith.constant 0 : i32
    %dma_start3A_48 = tpu.memref_slice %arg4[%dma_start3A_34, %dma_start3A_46, %dma_start3A_47] : memref<4x51x512xf32, #tpu.memory_space<vmem>> -> memref<1x51x512xf32, #tpu.memory_space<vmem>>
    %dma_start3A_49 = tpu.memref_squeeze %dma_start3A_48 : memref<1x51x512xf32, #tpu.memory_space<vmem>> -> memref<51x512xf32, #tpu.memory_space<vmem>>
    %dma_start3A_50 = arith.constant 0 : i32
    %dma_start3A_51 = arith.constant 0 : i32
    %dma_start3A_52 = tpu.memref_slice %arg2[%div3A_31, %rem3A_33, %dma_start3A_50, %dma_start3A_51] : memref<4x256x51x512xf32, #tpu.memory_space<hbm>> -> memref<1x1x51x512xf32, #tpu.memory_space<hbm>>
    %dma_start3A_53 = tpu.memref_squeeze %dma_start3A_52 : memref<1x1x51x512xf32, #tpu.memory_space<hbm>> -> memref<51x512xf32, #tpu.memory_space<hbm>>
    tpu.enqueue_dma source(%dma_start3A_53 : memref<51x512xf32, #tpu.memory_space<hbm>>) target(%dma_start3A_49 : memref<51x512xf32, #tpu.memory_space<vmem>>) target_semaphore(%dma_start3A_45 : memref<!tpu.dma_semaphore, #tpu.memory_space<semaphore_mem>>)
    %mul3A_54 = arith.constant 32 : i32
    %mul3A_55 = arith.muli %add3A, %mul3A_54 : i32
    %add3A_56 = arith.constant 2 : i32
    %add3A_57 = arith.addi %mul3A_55, %add3A_56 : i32
    %div3A_58 = arith.constant 256 : i32
    %div3A_59 = arith.divsi %add3A_57, %div3A_58 : i32
    %rem3A_60 = arith.constant 256 : i32
    %rem3A_61 = arith.remsi %add3A_57, %rem3A_60 : i32
    %dma_start3A_62 = arith.constant 2 : i32
    %dma_start3A_63 = arith.constant 2 : i32
    %dma_start3A_64 = arith.constant 0 : i32
    %dma_start3A_65 = arith.constant 0 : i32
    %dma_start3A_66 = tpu.memref_slice %arg4[%dma_start3A_62, %dma_start3A_64, %dma_start3A_65] : memref<4x51x512xf32, #tpu.memory_space<vmem>> -> memref<1x51x512xf32, #tpu.memory_space<vmem>>
    %dma_start3A_67 = tpu.memref_squeeze %dma_start3A_66 : memref<1x51x512xf32, #tpu.memory_space<vmem>> -> memref<51x512xf32, #tpu.memory_space<vmem>>
    %dma_start3A_68 = arith.constant 0 : i32
    %dma_start3A_69 = arith.constant 0 : i32
    %dma_start3A_70 = tpu.memref_slice %arg2[%div3A_59, %rem3A_61, %dma_start3A_68, %dma_start3A_69] : memref<4x256x51x512xf32, #tpu.memory_space<hbm>> -> memref<1x1x51x512xf32, #tpu.memory_space<hbm>>
    %dma_start3A_71 = tpu.memref_squeeze %dma_start3A_70 : memref<1x1x51x512xf32, #tpu.memory_space<hbm>> -> memref<51x512xf32, #tpu.memory_space<hbm>>
    %dma_start3A_72 = tpu.memref_slice %arg6[%dma_start3A_63] : memref<4x!tpu.dma_semaphore, #tpu.memory_space<semaphore_mem>> -> memref<1x!tpu.dma_semaphore, #tpu.memory_space<semaphore_mem>>
    %dma_start3A_73 = tpu.memref_squeeze %dma_start3A_72 : memref<1x!tpu.dma_semaphore, #tpu.memory_space<semaphore_mem>> -> memref<!tpu.dma_semaphore, #tpu.memory_space<semaphore_mem>>
    %dma_start3A_74 = arith.constant 0 : i32
    %dma_start3A_75 = arith.constant 0 : i32
    %dma_start3A_76 = tpu.memref_slice %arg4[%dma_start3A_62, %dma_start3A_74, %dma_start3A_75] : memref<4x51x512xf32, #tpu.memory_space<vmem>> -> memref<1x51x512xf32, #tpu.memory_space<vmem>>
    %dma_start3A_77 = tpu.memref_squeeze %dma_start3A_76 : memref<1x51x512xf32, #tpu.memory_space<vmem>> -> memref<51x512xf32, #tpu.memory_space<vmem>>
    %dma_start3A_78 = arith.constant 0 : i32
    %dma_start3A_79 = arith.constant 0 : i32
    %dma_start3A_80 = tpu.memref_slice %arg2[%div3A_59, %rem3A_61, %dma_start3A_78, %dma_start3A_79] : memref<4x256x51x512xf32, #tpu.memory_space<hbm>> -> memref<1x1x51x512xf32, #tpu.memory_space<hbm>>
    %dma_start3A_81 = tpu.memref_squeeze %dma_start3A_80 : memref<1x1x51x512xf32, #tpu.memory_space<hbm>> -> memref<51x512xf32, #tpu.memory_space<hbm>>
    tpu.enqueue_dma source(%dma_start3A_81 : memref<51x512xf32, #tpu.memory_space<hbm>>) target(%dma_start3A_77 : memref<51x512xf32, #tpu.memory_space<vmem>>) target_semaphore(%dma_start3A_73 : memref<!tpu.dma_semaphore, #tpu.memory_space<semaphore_mem>>)
    %scan3A = arith.constant 0 : i32
    %scan3A_82 = arith.constant 0 : i32
    %scan3A_83 = arith.constant 32 : i32
    %scan3A_84 = arith.addi %scan3A_82, %scan3A_83 : i32
    %scan3A_85 = arith.constant 1 : i32
    scf.for %scan3A_93 = %scan3A_82 to %scan3A_84 step %scan3A_85  : i32 {
      %add3A_94 = arith.constant 3 : i32
      %add3A_95 = arith.addi %scan3A_93, %add3A_94 : i32
      %lt3A = arith.constant 32 : i32
      %lt3A_96 = arith.cmpi slt, %add3A_95, %lt3A : i32
      %convert_element_type3A_97 = arith.extui %lt3A_96 : i1 to i32
      %cond3A = arith.constant 0 : i32
      %cond3A_98 = arith.cmpi ne, %convert_element_type3A_97, %cond3A : i32
      scf.if %cond3A_98 {
        %rem3A_125 = arith.constant 4 : i32
        %rem3A_126 = arith.remsi %add3A_95, %rem3A_125 : i32
        %mul3A_127 = arith.constant 32 : i32
        %mul3A_128 = arith.muli %add3A, %mul3A_127 : i32
        %add3A_129 = arith.addi %mul3A_128, %add3A_95 : i32
        %div3A_130 = arith.constant 256 : i32
        %div3A_131 = arith.divsi %add3A_129, %div3A_130 : i32
        %rem3A_132 = arith.constant 256 : i32
        %rem3A_133 = arith.remsi %add3A_129, %rem3A_132 : i32
        %dma_start3A_134 = arith.constant 0 : i32
        %dma_start3A_135 = arith.constant 0 : i32
        %dma_start3A_136 = tpu.memref_slice %arg4[%rem3A_126, %dma_start3A_134, %dma_start3A_135] : memref<4x51x512xf32, #tpu.memory_space<vmem>> -> memref<1x51x512xf32, #tpu.memory_space<vmem>>
        %dma_start3A_137 = tpu.memref_squeeze %dma_start3A_136 : memref<1x51x512xf32, #tpu.memory_space<vmem>> -> memref<51x512xf32, #tpu.memory_space<vmem>>
        %dma_start3A_138 = arith.constant 0 : i32
        %dma_start3A_139 = arith.constant 0 : i32
        %dma_start3A_140 = tpu.memref_slice %arg2[%div3A_131, %rem3A_133, %dma_start3A_138, %dma_start3A_139] : memref<4x256x51x512xf32, #tpu.memory_space<hbm>> -> memref<1x1x51x512xf32, #tpu.memory_space<hbm>>
        %dma_start3A_141 = tpu.memref_squeeze %dma_start3A_140 : memref<1x1x51x512xf32, #tpu.memory_space<hbm>> -> memref<51x512xf32, #tpu.memory_space<hbm>>
        %dma_start3A_142 = tpu.memref_slice %arg6[%rem3A_126] : memref<4x!tpu.dma_semaphore, #tpu.memory_space<semaphore_mem>> -> memref<1x!tpu.dma_semaphore, #tpu.memory_space<semaphore_mem>>
        %dma_start3A_143 = tpu.memref_squeeze %dma_start3A_142 : memref<1x!tpu.dma_semaphore, #tpu.memory_space<semaphore_mem>> -> memref<!tpu.dma_semaphore, #tpu.memory_space<semaphore_mem>>
        %dma_start3A_144 = arith.constant 0 : i32
        %dma_start3A_145 = arith.constant 0 : i32
        %dma_start3A_146 = tpu.memref_slice %arg4[%rem3A_126, %dma_start3A_144, %dma_start3A_145] : memref<4x51x512xf32, #tpu.memory_space<vmem>> -> memref<1x51x512xf32, #tpu.memory_space<vmem>>
        %dma_start3A_147 = tpu.memref_squeeze %dma_start3A_146 : memref<1x51x512xf32, #tpu.memory_space<vmem>> -> memref<51x512xf32, #tpu.memory_space<vmem>>
        %dma_start3A_148 = arith.constant 0 : i32
        %dma_start3A_149 = arith.constant 0 : i32
        %dma_start3A_150 = tpu.memref_slice %arg2[%div3A_131, %rem3A_133, %dma_start3A_148, %dma_start3A_149] : memref<4x256x51x512xf32, #tpu.memory_space<hbm>> -> memref<1x1x51x512xf32, #tpu.memory_space<hbm>>
        %dma_start3A_151 = tpu.memref_squeeze %dma_start3A_150 : memref<1x1x51x512xf32, #tpu.memory_space<hbm>> -> memref<51x512xf32, #tpu.memory_space<hbm>>
        tpu.enqueue_dma source(%dma_start3A_151 : memref<51x512xf32, #tpu.memory_space<hbm>>) target(%dma_start3A_147 : memref<51x512xf32, #tpu.memory_space<vmem>>) target_semaphore(%dma_start3A_143 : memref<!tpu.dma_semaphore, #tpu.memory_space<semaphore_mem>>)
      } else {
      }
      %rem3A_99 = arith.constant 4 : i32
      %rem3A_100 = arith.remsi %scan3A_93, %rem3A_99 : i32
      %mul3A_101 = arith.constant 32 : i32
      %mul3A_102 = arith.muli %add3A, %mul3A_101 : i32
      %add3A_103 = arith.addi %mul3A_102, %scan3A_93 : i32
      %div3A_104 = arith.constant 256 : i32
      %div3A_105 = arith.divsi %add3A_103, %div3A_104 : i32
      %rem3A_106 = arith.constant 256 : i32
      %rem3A_107 = arith.remsi %add3A_103, %rem3A_106 : i32
      %dma_wait3A = arith.constant 0 : i32
      %dma_wait3A_108 = arith.constant 0 : i32
      %dma_wait3A_109 = tpu.memref_slice %arg4[%rem3A_100, %dma_wait3A, %dma_wait3A_108] : memref<4x51x512xf32, #tpu.memory_space<vmem>> -> memref<1x51x512xf32, #tpu.memory_space<vmem>>
      %dma_wait3A_110 = tpu.memref_squeeze %dma_wait3A_109 : memref<1x51x512xf32, #tpu.memory_space<vmem>> -> memref<51x512xf32, #tpu.memory_space<vmem>>
      %dma_wait3A_111 = arith.constant 0 : i32
      %dma_wait3A_112 = arith.constant 0 : i32
      %dma_wait3A_113 = tpu.memref_slice %arg2[%div3A_105, %rem3A_107, %dma_wait3A_111, %dma_wait3A_112] : memref<4x256x51x512xf32, #tpu.memory_space<hbm>> -> memref<1x1x51x512xf32, #tpu.memory_space<hbm>>
      %dma_wait3A_114 = tpu.memref_squeeze %dma_wait3A_113 : memref<1x1x51x512xf32, #tpu.memory_space<hbm>> -> memref<51x512xf32, #tpu.memory_space<hbm>>
      %dma_wait3A_115 = tpu.memref_slice %arg6[%rem3A_100] : memref<4x!tpu.dma_semaphore, #tpu.memory_space<semaphore_mem>> -> memref<1x!tpu.dma_semaphore, #tpu.memory_space<semaphore_mem>>
      %dma_wait3A_116 = tpu.memref_squeeze %dma_wait3A_115 : memref<1x!tpu.dma_semaphore, #tpu.memory_space<semaphore_mem>> -> memref<!tpu.dma_semaphore, #tpu.memory_space<semaphore_mem>>
      %dma_wait3A_117 = arith.constant 0 : i32
      %dma_wait3A_118 = arith.constant 0 : i32
      %dma_wait3A_119 = tpu.memref_slice %arg4[%rem3A_100, %dma_wait3A_117, %dma_wait3A_118] : memref<4x51x512xf32, #tpu.memory_space<vmem>> -> memref<1x51x512xf32, #tpu.memory_space<vmem>>
      %dma_wait3A_120 = tpu.memref_squeeze %dma_wait3A_119 : memref<1x51x512xf32, #tpu.memory_space<vmem>> -> memref<51x512xf32, #tpu.memory_space<vmem>>
      %dma_wait3A_121 = arith.constant 0 : i32
      %dma_wait3A_122 = arith.constant 0 : i32
      %dma_wait3A_123 = tpu.memref_slice %arg2[%div3A_105, %rem3A_107, %dma_wait3A_121, %dma_wait3A_122] : memref<4x256x51x512xf32, #tpu.memory_space<hbm>> -> memref<1x1x51x512xf32, #tpu.memory_space<hbm>>
      %dma_wait3A_124 = tpu.memref_squeeze %dma_wait3A_123 : memref<1x1x51x512xf32, #tpu.memory_space<hbm>> -> memref<51x512xf32, #tpu.memory_space<hbm>>
      tpu.wait_dma2 semaphore(%dma_wait3A_116 : memref<!tpu.dma_semaphore, #tpu.memory_space<semaphore_mem>>) src(%dma_wait3A_124 : memref<51x512xf32, #tpu.memory_space<hbm>>) dst(%dma_wait3A_120 : memref<51x512xf32, #tpu.memory_space<vmem>>)
    }
    %scan3A_86 = arith.constant 32 : i32
    %broadcast_in_dim3A = arith.constant 0.000000e+00 : f32
    %broadcast_in_dim3A_87 = vector.broadcast %broadcast_in_dim3A : f32 to vector<16xf32>
    %convert_element_type3A = arith.sitofp %add3A : i32 to f32
    %add3A_88 = vector.broadcast %convert_element_type3A : f32 to vector<16xf32>
    %add3A_89 = arith.addf %broadcast_in_dim3A_87, %add3A_88 : vector<16xf32>
    %swap3A = arith.constant 0 : index
    %swap3A_90 = tpu.vector_load %arg5[%swap3A] {strides = array<i32>} : memref<16xf32, #tpu.memory_space<vmem>>, vector<16xf32>,
    %swap3A_91 = vector.shape_cast %swap3A_90 : vector<16xf32> to vector<16xf32>
    %swap3A_92 = vector.shape_cast %add3A_89 : vector<16xf32> to vector<16xf32>
    tpu.vector_store %arg5[%swap3A], %swap3A_92 {strides = array<i32>} : memref<16xf32, #tpu.memory_space<vmem>>, vector<16xf32>,
    "tpu.region"() ({
      %run_scoped3A = tpu.sem_alloc : memref<!tpu.dma_semaphore, #tpu.memory_space<semaphore_mem>>
      %dma_start3A_93 = arith.constant 0 : i32
      %dma_start3A_94 = tpu.memref_slice %arg3[%add3A, %dma_start3A_93] : memref<32x16xf32, #tpu.memory_space<hbm>> -> memref<1x16xf32, #tpu.memory_space<hbm>>
      %dma_start3A_95 = tpu.memref_squeeze %dma_start3A_94 : memref<1x16xf32, #tpu.memory_space<hbm>> -> memref<16xf32, #tpu.memory_space<hbm>>
      %dma_start3A_96 = arith.constant 0 : i32
      %dma_start3A_97 = tpu.memref_slice %arg3[%add3A, %dma_start3A_96] : memref<32x16xf32, #tpu.memory_space<hbm>> -> memref<1x16xf32, #tpu.memory_space<hbm>>
      %dma_start3A_98 = tpu.memref_squeeze %dma_start3A_97 : memref<1x16xf32, #tpu.memory_space<hbm>> -> memref<16xf32, #tpu.memory_space<hbm>>
      tpu.enqueue_dma source(%arg5 : memref<16xf32, #tpu.memory_space<vmem>>) target(%dma_start3A_98 : memref<16xf32, #tpu.memory_space<hbm>>) target_semaphore(%run_scoped3A : memref<!tpu.dma_semaphore, #tpu.memory_space<semaphore_mem>>)
      %dma_wait3A = arith.constant 0 : i32
      %dma_wait3A_99 = tpu.memref_slice %arg3[%add3A, %dma_wait3A] : memref<32x16xf32, #tpu.memory_space<hbm>> -> memref<1x16xf32, #tpu.memory_space<hbm>>
      %dma_wait3A_100 = tpu.memref_squeeze %dma_wait3A_99 : memref<1x16xf32, #tpu.memory_space<hbm>> -> memref<16xf32, #tpu.memory_space<hbm>>
      %dma_wait3A_101 = arith.constant 0 : i32
      %dma_wait3A_102 = tpu.memref_slice %arg3[%add3A, %dma_wait3A_101] : memref<32x16xf32, #tpu.memory_space<hbm>> -> memref<1x16xf32, #tpu.memory_space<hbm>>
      %dma_wait3A_103 = tpu.memref_squeeze %dma_wait3A_102 : memref<1x16xf32, #tpu.memory_space<hbm>> -> memref<16xf32, #tpu.memory_space<hbm>>
      tpu.wait_dma2 semaphore(%run_scoped3A : memref<!tpu.dma_semaphore, #tpu.memory_space<semaphore_mem>>) src(%arg5 : memref<16xf32, #tpu.memory_space<vmem>>) dst(%dma_wait3A_103 : memref<16xf32, #tpu.memory_space<hbm>>)
      tpu.yield
    }) : () -> ()
    return
  }
}

</mosaic_0001>

<sc_bundles>
// kernel: kernel.3.cloned.1.call-start
scs
__scs_entry_jumppad:
0x0: {  	(pc) =	sbr.rel $0x88, $3  }
0x1: {  	(tag) =	ssettag $0x0;
	lr =	simm.s32 $0x1  }
0x2: {  	[smem:$0x3FA0] =	sst lr;
	_ =	strace $0xD0000000  }
0x3: {  	_ = 	snop  }
0x4: {  	_ = 	snop  }
0x5: {  	_ = 	snop  }
0x6: {  	_ = 	snop  }
0x7: {  	_ = 	snop  }
__scs_overlays_trampoline_lowered:
0x8: {  	[smem:$0x3FAF] =	sst s0  }
0x9: {  	[smem:$0x3FB0] =	sst s1  }
0xa: {  	[smem:$0x3FB1] =	sst s2  }
0xb: {  	[smem:$0x3FB2] =	sst s3  }
0xc: {  	[smem:$0x3FB3] =	sst s4  }
0xd: {  	[smem:$0x3FB4] =	sst s5  }
0xe: {  	[smem:$0x3FB5] =	sst s6  }
0xf: {  	[smem:$0x3FB6] =	sst s7  }
0x10: {  	[smem:$0x3FB7] =	sst s8  }
0x11: {  	[smem:$0x3FB8] =	sst s9;
	s0 =	simm.s32 @!p0 $0x0  }
0x12: {  	s1 =	sld [smem:$0x3F9E];
	s0 =	simm.s32 @p0 $0x1  }
0x13: {  	[smem:$0x3FB9] =	sst s0;
	s0 =	simm.s32 @!p1 $0x0  }
0x14: {  	s2 =	sld [smem:$0x3F9D];
	s0 =	simm.s32 @p1 $0x1  }
0x15: {  	[smem:$0x3FBA] =	sst s0;
	s0 =	simm.s32 @!p2 $0x0  }
0x16: {  	s3 =	sld [smem:$0x3FDB];
	s0 =	simm.s32 @p2 $0x1  }
0x17: {  	s4 =	simm.s32 $0x1BF5;
	[smem:$0x3FBC] =	sst s0  }
0x18: {  	s0 =	sld [smem:$0x3F9F];
	_ =	swait.ge [sflag:s4], $0x0  }
0x19: {  	s7 =	sld [smem:$0x3FA0]  }
0x1a: {  	s8 =	sadd.s32 $0xFFFFE003, lr  }
0x1b: {  	s9 =	sadd.s32 $0xFFFFFEF7, lr;
	s5 =	simm.s32 $0xFFFFFFFF;
	p2 =	slt.u32 s8, $0xFFFFF086  }
0x1c: {  	p1 =	slt.u32 s9, $0xF7A;
	s5 =	simm.s32 @!p2 $0x0  }
0x1d: {  	s5 =	simm.s32 @p1 $0x1;
	p0 =	seq.s32 s7, s2  }
0x1e: {  	s7 =	smul.u32 @!p0 $0xF7A, s2;
	p2 =	seq.s32 @!p0 s5, $0x0  }
0x1f: {  	s9 =	smul.u32 $0xF7A, s1;
	s8 =	simm.s32 @!p0 $0x1BF5;
	p2 =	por !p2, p0  }
0x20: {  	[sflag:s8] =	ssyncset.s32 @!p0 $0xFFFFF086;
	s6 =	sadd.s32 @!p0 s3, s7;
	s7 =	simm.s32 @!p0 $0x108  }
0x21: {  	s3 =	sadd.s32 s3, s9;
	s6 =	sadd.s32 @!p0 $0x88, s6;
	s7 =	simm.s32 @p2 $0x1082  }
0x22: {  	[simem:s7], [sflag:s8] =	dma.local @!p0 [hbm:s6], $0xF7A  }
0x23: {  	s9 =	sor.u32 $0xD0000000, s2;
	s6 =	simm.s32 $0x108;
	_ =	swait.ge @!p0 [sflag:s8], $0x0  }
0x24: {  	s3 =	sadd.s32 $0x88, s3;
	s6 =	simm.s32 @!p1 $0x1082;
	[sflag:s4] =	ssyncset.s32 $0xFFFFF086  }
0x25: {  	[simem:s6], [sflag:s4] =	dma.local [hbm:s3], $0xF7A  }
0x26: {  	[smem:$0x3FA0] =	sst s1;
	(tag) =	ssettag s2;
	_ =	strace s9  }
0x27: {  	s1 =	sld [smem:$0x3FB0]  }
0x28: {  	s2 =	sld [smem:$0x3FB1]  }
0x29: {  	s4 =	sld [smem:$0x3FB3]  }
0x2a: {  	p0 =	seq.s32 s5, $0x0;
	s5 =	sld [smem:$0x3FB4]  }
0x2b: {  	s6 =	sld [smem:$0x3FB5]  }
0x2c: {  	s7 =	sld [smem:$0x3FB6]  }
0x2d: {  	s3 =	simm.s32 $0x108;
	s8 =	sld [smem:$0x3FB7]  }
0x2e: {  	s3 =	simm.s32 @!p0 $0x1082;
	s9 =	sld [smem:$0x3FB8]  }
0x2f: {  	lr =	sadd.s32 s0, s3;
	s0 =	sld [smem:$0x3FAF]  }
0x30: {  	s3 =	sld [smem:$0x3FB2]  }
0x31: {  	[smem:$0x3FBB] =	sst s10  }
0x32: {  	s10 =	sld [smem:$0x3FB9];
	_ =	sdelay $0x3  }
0x33: {  	p0 =	seq.s32 s10, $0x1;
	s10 =	sld [smem:$0x3FBB];
	_ =	sdelay $0x3  }
0x34: {  	[smem:$0x3FBB] =	sst s10  }
0x35: {  	s10 =	sld [smem:$0x3FBA];
	_ =	sdelay $0x3  }
0x36: {  	p1 =	seq.s32 s10, $0x1;
	s10 =	sld [smem:$0x3FBB];
	_ =	sdelay $0x3  }
0x37: {  	[smem:$0x3FBB] =	sst s10  }
0x38: {  	s10 =	sld [smem:$0x3FBC]  }
0x39: {  	_ = 	snop;
	(pc) =	sbr.ind lr, $3  }
0x3a: {  	_ = 	snop  }
0x3b: {  	_ = 	snop  }
0x3c: {  	p2 =	seq.s32 s10, $0x1;
	s10 =	sld [smem:$0x3FBB]  }
0x3d: {  	_ =	shalt  }
0x3e: {  	_ =	shalt  }
0x3f: {  	_ =	shalt  }
0x40: {  	_ =	shalt  }
0x41: {  	_ =	shalt  }
0x42: {  	_ =	shalt  }
0x43: {  	_ =	shalt  }
0x44: {  	_ =	shalt  }
0x45: {  	_ =	shalt  }
0x46: {  	_ =	shalt  }
0x47: {  	_ =	shalt  }
0x48: {  	_ =	shalt  }
0x49: {  	_ =	shalt  }
0x4a: {  	_ =	shalt  }
0x4b: {  	_ =	shalt  }
0x4c: {  	_ =	shalt  }
0x4d: {  	_ =	shalt  }
0x4e: {  	_ =	shalt  }
0x4f: {  	_ =	shalt  }
0x50: {  	_ =	shalt  }
0x51: {  	_ =	shalt  }
0x52: {  	_ =	shalt  }
0x53: {  	_ =	shalt  }
0x54: {  	_ =	shalt  }
0x55: {  	_ =	shalt  }
0x56: {  	_ =	shalt  }
0x57: {  	_ =	shalt  }
0x58: {  	_ =	shalt  }
0x59: {  	_ =	shalt  }
0x5a: {  	_ =	shalt  }
0x5b: {  	_ =	shalt  }
0x5c: {  	_ =	shalt  }
0x5d: {  	_ =	shalt  }
0x5e: {  	_ =	shalt  }
0x5f: {  	_ =	shalt  }
0x60: {  	_ =	shalt  }
0x61: {  	_ =	shalt  }
0x62: {  	_ =	shalt  }
0x63: {  	_ =	shalt  }
0x64: {  	_ =	shalt  }
0x65: {  	_ =	shalt  }
0x66: {  	_ =	shalt  }
0x67: {  	_ =	shalt  }
0x68: {  	_ =	shalt  }
0x69: {  	_ =	shalt  }
0x6a: {  	_ =	shalt  }
0x6b: {  	_ =	shalt  }
0x6c: {  	_ =	shalt  }
0x6d: {  	_ =	shalt  }
0x6e: {  	_ =	shalt  }
0x6f: {  	_ =	shalt  }
0x70: {  	_ =	shalt  }
0x71: {  	_ =	shalt  }
0x72: {  	_ =	shalt  }
0x73: {  	_ =	shalt  }
0x74: {  	_ =	shalt  }
0x75: {  	_ =	shalt  }
0x76: {  	_ =	shalt  }
0x77: {  	_ =	shalt  }
0x78: {  	_ =	shalt  }
0x79: {  	_ =	shalt  }
0x7a: {  	_ =	shalt  }
0x7b: {  	_ =	shalt  }
0x7c: {  	_ =	shalt  }
0x7d: {  	_ =	shalt  }
0x7e: {  	_ =	shalt  }
0x7f: {  	_ =	shalt  }
0x80: {  	_ =	shalt  }
0x81: {  	_ =	shalt  }
0x82: {  	_ =	shalt  }
0x83: {  	_ =	shalt  }
0x84: {  	_ =	shalt  }
0x85: {  	_ =	shalt  }
0x86: {  	_ =	shalt  }
0x87: {  	_ =	shalt  }
.Lfunc_end0:
.L_simem_size_0:
called_computation_lowered:
.L_overlay_start_0:
0x88: {  	s2 =	sld [smem:$0x3FD9]  }
0x89: {  	s3 =	sld [smem:$0x3FFE];
	_ =	sdelay $0x1  }
0x8a: {  	s1 =	srdreg.scid  }
0x8b: {  	s0 =	sand.u32 $0x1, s1  }
0x8c: {  	s16 =	sshll.u32 s0, $0xA;
	s2 =	sadd.s32 s3, s2  }
0x8d: {  	s2 =	sadd.s32 s2, s16  }
0x8e: {  	[smem:$0x3FC7] =	sst s2  }
0x8f: {  	_ = 	snop  }
0x90: {  	(tm) =	ssettm $0x1  }
0x91: {  	s17 =	sld [smem:$0x3FFB];
	_ =	sdelay $0x3  }
0x92: {  	_ =	strace s17  }
0x93: {  	s2 =	sld [smem:$0x3FFC];
	_ =	sdelay $0x3  }
0x94: {  	_ =	strace s2  }
0x95: {  	s2 =	sld [smem:$0x3FFD];
	_ =	sdelay $0x3  }
0x96: {  	_ =	strace s2  }
0x97: {  	_ =	strace $0x8FFFFFFF  }
0x98: {  	s18 =	sld [smem:$0x3FDB];
	_ =	sdelay $0x1  }
0x99: {  	s19 =	simm.s32 $_scs_section_size  }
0x9a: {  	s4 =	simm.s32 $_size__tile_overlayer_lowered;
	s5 =	simm.s32 $_tile_overlayer_lowered  }
0x9b: {  	s22 =	simm.s32 $0x1BFF;
	s21 =	sshll.u32 s5, $0x1;
	s2 =	sadd.s32 s19, s18  }
0x9c: {  	s6 =	simm.s32 $0x0;
	s20 =	sshll.u32 s4, $0x1;
	s4 =	sadd.s32 s21, s2  }
0x9d: {  	[timem:s6], [sflag:s22] =	dma.local [hbm:s4], s20  }
0x9e: {  	_ =	swait.ge [sflag:s22], s20  }
0x9f: {  	s3 =	ssub.s32 $0x0, s20;
	[sflag:s22] =	ssyncset.done $0x0  }
0xa0: {  	[sflag:s22] =	ssyncadd.s32 s3;
	_ =	sdelay $0x1  }
0xa1: {  	s23 =	simm.s32 $0x1B8B  }
0xa2: {  	_ =	swait.ge [sflag:s23], $0x1  }
0xa3: {  	[sflag:s23] =	ssyncset.done $0x0  }
0xa4: {  	s25 =	simm.s32 $0x1B8E;
	s24 =	sld [smem:$0x3FFE];
	[sflag:s23] =	ssyncadd.s32 $0xFFFFFFFF  }
0xa5: {  	s26 =	simm.s32 $execute0_lowered;
	[smem:$0x3FD2] =	sst s25  }
0xa6: {  	s4 =	sshll.u32 s26, $0x1;
	_ =	strace $0x80000046;
	[dreg:$0x1] =	wrdreg $0xFFFFFFFF  }
0xa7: {  	s28 =	simm.s32 $_size_execute0_lowered;
	s2 =	sadd.s32 s2, s4;
	[dreg:$0x0] =	wrdreg $0x0  }
0xa8: {  	s4 =	sshll.u32 s28, $0x1;
	[dreg:$0x2] =	wrdreg s2  }
0xa9: {  	[dreg:$0x3] =	wrdreg s4  }
0xaa: {  	[dreg:$0x4] =	wrdreg $0xC0  }
0xab: {  	_ =	task [dreg:s6], $0x5FFFF  }
0xac: {  	[dreg:$0x1] =	wrdreg $0xFFFFFFFF  }
0xad: {  	[dreg:$0x0] =	wrdreg $0x60  }
0xae: {  	[dreg:$0x2] =	wrdreg s24  }
0xaf: {  	[dreg:$0x3] =	wrdreg $0x9  }
0xb0: {  	_ =	task.clear_ibuf [dreg:s6], $0x4FFFF;
	_ =	strace $0x90000046  }
0xb1: {  	s29 =	simm.s32 $0x9;
	_ =	strace $0x80000048  }
0xb2: {  	_ =	swait.ge [sflag:s29], $0x1  }
0xb3: {  	[sflag:s29] =	ssyncadd.s32 $0xFFFFFFFF  }
0xb4: {  	_ =	strace $0x90000048  }
0xb5: {  	_ =	sfence  }
0xb6: {  	s30 =	sld [smem:$0x0];
	_ =	sdelay $0x2  }
0xb7: {  	s31 =	sshll.u32 s1, $0xD;
	s1 =	sshrl.u32 s1, $0x2  }
0xb8: {  	s3 =	sand.u32 $0x4000, s31;
	s1 =	sadd.s32 s1, s30  }
0xb9: {  	s0 =	sor.u32 s3, s0;
	s1 =	sshll.u32 s1, $0x11  }
0xba: {  	s0 =	sor.u32 s1, s0  }
0xbb: {  	s0 =	sadd.s32 $0x8F2B, s0  }
0xbc: {  	[sflag:s0] =	ssyncadd.remote.s32 $0x1  }
0xbd: {  	_ =	sfence.sel $0xFFFF  }
0xbe: {  	[dreg:$0x0] =	wrdreg $0xFFFFFFFF;
	(pc) =	sbr.abs _section_cstart, $3  }
0xbf: {  	[dreg:$0x1] =	wrdreg $0xFFFFFFFF  }
0xc0: {  	_ =	task.clear_ibuf [dreg:s6], $0x2FFFF;
	_ =	strace $0x9FFFFFFF  }
0xc1: {  	(tm) =	ssettm $0x7FFFFFFF  }
tec
execute0_lowered:
.L_overlay_start_1:
0x0: {  	(tag) =	ssettag $0x1  }
0x1: {  	s1 =	srdreg.scid;
	s0 =	stileid.u32  }
0x2: {  	s2 =	rddreg [dreg:$0x0];
	s3 =	simm.s32 $0x0;
	s14 =	simm.s32 $0x0  }
0x3: {  	s7 =	sand.u32 $0x1, s1;
	s28 =	sshll.u32 s0, $0x1;
	s1 =	rddreg [dreg:$0x1]  }
0x4: {  	s5 =	sshrl.u32 s0, $0x2;
	[smem:$0x7FF] =	sst s3;
	s11 =	sshll.u32 s0, $0x6  }
0x5: {  	s8 =	sor.u32 s7, s28;
	s5 =	smul.u32 $0x700000, s5;
	_ =	strace $0x80000047  }
0x6: {  	s9 =	ssub.s32 $0x2, s7;
	s13 =	sshll.u32 s7, $0x5;
	s4 =	sshll.u32 s8, $0x5  }
0x7: {  	s6 =	sshll.u32 s8, $0x4;
	s29 =	sshrl.u32 s9, $0x1;
	s12 =	scvt.s32.f32 s8  }
0x8: {  	s31 =	sor.u32 s13, s11;
	s11 =	simm.s32 $0xE000;
	s4 =	sand.u32 $0xE0, s4  }
0x9: {  	s10 =	sadd.s32 s6, s2;
	s9 =	ssub.s32 s9, s29;
	s4 =	smul.u32 $0x7000, s4  }
0xa: {  	s13 =	simm.s32 $0x5;
	s7 =	sadd.s32 $0x380000, s10;
	s8 =	smax.u32 s9, $0x1  }
0xb: {  	s9 =	sor.u32 $0x3, s31;
	s10 =	simm.s32 $0x7000;
	s4 =	sadd.s32 s5, s4  }
0xc: {  	v0 =	vmov s12;
	s12 =	simm.s32 $0x1C000;
	s5 =	sor.u32 $0x7000, s4;
	s30 =	sor.u32 $0xE000, s4  }
0xd: {  	s4 =	sshrl.u32 s4, $0x3;
	s5 =	sshrl.u32 s5, $0x3;
	s6 =	sshrl.u32 s30, $0x3  }
0xe: {  	s4 =	sadd.s32 s2, s4;
	s5 =	sadd.s32 s2, s5;
	s6 =	sadd.s32 s2, s6  }
.LBB2_1:
0xf: {  	[tilespmem:s3], [sflag:$0x1] =	stream.linear.gather [hbm4b:s4+s3], $0x7000, $0x38;
	[tilespmem:$0x1C080] =	vst v63  }
0x10: {  	p1 =	por $0x0, $0x0  }
0x11: {  	s15 =	sadd.s32 @!p1 $0x0, s9  }
0x12: {  	[tilespmem:s10], [sflag:$0x2] =	stream.linear.gather [hbm4b:s5+s3], $0x7000, $0x38;
	[tilespmem:$0x1C080] =	vst v63  }
0x13: {  	p0 =	por p1, p1;
	s16 =	sshrl.u32 @!p1 s15, $0x8  }
0x14: {  	s17 =	simm.s32 @!p1 $0xFFFFFFFF;
	s15 =	sand.u32 @!p1 $0xFF, s15;
	s16 =	smul.u32 @!p0 $0x700000, s16  }
0x15: {  	s17 =	sand.u32 @!p0 $0x3, s17;
	s18 =	smul.u32 @!p0 $0x7000, s15  }
0x16: {  	[tilespmem:s11], [sflag:$0x3] =	stream.linear.gather [hbm4b:s6+s3], $0x7000, $0x38;
	[tilespmem:$0x1C080] =	vst v63  }
0x17: {  	s31 =	sand.u32 $0x3, s3;
	s19 =	smul.u32 @!p0 $0x1C000, s17;
	s16 =	sadd.s32 @!p0 s18, s16  }
0x18: {  	s20 =	simm.s32 @!p0 $0x0;
	s15 =	simm.s32 $0x1;
	s16 =	sshrl.u32 @!p0 s16, $0x3  }
0x19: {  	s17 =	sadd.s32 @!p0 $0x1, s17;
	s19 =	sshrl.u32 @!p0 s19, $0x2;
	s16 =	sadd.s32 @!p0 s2, s16  }
0x1a: {  	[tilespmem:s19], [sflag:s17] =	stream.linear.gather @!p0 [hbm4b:s16+s20], $0x7000, $0x38;
	[tilespmem:$0x1C080] =	vst v63  }
0x1b: {  	s16 =	simm.s32 $0x2;
	p0 =	por $0x0, $0x0;
	s17 =	sadd.s32 $0x1, s31  }
0x1c: {  	s18 =	simm.s32 @!p0 $0x0;
	s19 =	sadd.s32 @!p0 $0x1, s9;
	_ =	swait.ge [sflag:s17], $0x7000  }
.LBB2_2:
0x1d: {  	s20 =	sshrl.u32 @!p0 s19, $0x8;
	s19 =	sand.u32 @!p0 $0xFF, s19;
	[sflag:s17] =	ssyncset.done $0x0  }
0x1e: {  	s21 =	smov.u32 s15;
	s15 =	smov.u32 s16;
	p1 =	por p0, p0  }
0x1f: {  	s16 =	sadd.s32 $0x1, s16;
	s20 =	smul.u32 @!p1 $0x700000, s20;
	[sflag:s17] =	ssyncadd.s32 $0xFFFF9000  }
0x20: {  	p2 =	sne.s32 s16, $0x20;
	s17 =	smul.u32 @!p1 $0x7000, s19;
	s18 =	sand.u32 @!p1 $0x3, s18  }
0x21: {  	s19 =	smul.u32 @!p1 $0x1C000, s18;
	s18 =	sadd.s32 @!p1 $0x1, s18  }
.Ltmp0:
0x22: {  	s17 =	sadd.s32 @!p1 s17, s20;
	s20 =	sand.u32 $0x3, s21;
	(pc) =	sbr.rel @p2 .LBB2_2-.Ltmp0, $4  }
0x23: {  	s21 =	simm.s32 @!p1 $0x0;
	s19 =	sshrl.u32 @!p1 s19, $0x2;
	s17 =	sshrl.u32 @!p1 s17, $0x3  }
0x24: {  	p0 =	sgt.u32 s15, $0x1C;
	s22 =	sadd.s32 @!p1 s2, s17;
	s17 =	sadd.s32 $0x1, s20  }
0x25: {  	[tilespmem:s19], [sflag:s18] =	stream.linear.gather @!p1 [hbm4b:s22+s21], $0x7000, $0x38;
	[tilespmem:$0x1C080] =	vst v63  }
0x26: {  	s18 =	sadd.s32 @!p0 $0xFFFFFFFF, s15;
	s19 =	sadd.s32 @!p0 s15, s9;
	_ =	swait.ge [sflag:s17], $0x7000  }
0x27: {  	s16 =	sshrl.u32 @!p0 s19, $0x8;
	p1 =	por p0, p0  }
0x28: {  	s19 =	sand.u32 @!p0 $0xFF, s19;
	s16 =	smul.u32 @!p1 $0x700000, s16  }
0x29: {  	s19 =	smul.u32 @!p1 $0x7000, s19  }
0x2a: {  	[sflag:s17] =	ssyncset.done $0x0;
	s15 =	sand.u32 $0x3, s15;
	s18 =	sand.u32 @!p1 $0x3, s18  }
0x2b: {  	[sflag:s17] =	ssyncadd.s32 $0xFFFF9000;
	s20 =	smul.u32 @!p1 $0x1C000, s18;
	s16 =	sadd.s32 @!p1 s19, s16  }
0x2c: {  	s15 =	sadd.s32 $0x1, s15;
	s17 =	sadd.s32 @!p1 $0x1, s18;
	s16 =	sshrl.u32 @!p1 s16, $0x3  }
0x2d: {  	s19 =	simm.s32 @!p1 $0x0;
	s18 =	sshrl.u32 @!p1 s20, $0x2;
	s16 =	sadd.s32 @!p1 s2, s16  }
0x2e: {  	[tilespmem:s18], [sflag:s17] =	stream.linear.gather @!p1 [hbm4b:s16+s19], $0x7000, $0x38;
	[tilespmem:$0x1C080] =	vst v63  }
0x2f: {  	_ =	swait.ge [sflag:s15], $0x7000  }
0x30: {  	s14 =	sadd.s32 $0x1, s14;
	[sflag:s15] =	ssyncset.done $0x0  }
0x31: {  	p0 =	sne.s32 s14, s8;
	[sflag:s15] =	ssyncadd.s32 $0xFFFF9000  }
.Ltmp1:
0x32: {  	[tilespmem:$0x1C000] =	vst v0;
	(pc) =	sbr.rel @p0 .LBB2_1-.Ltmp1, $4  }
0x33: {  	[hbm4b:s7+s3] =	stream.linear.scatter [tilespmem:s12], [sflag:$0x5], $0x80, $0x38;
	[tilespmem:$0x1C080] =	vst v63  }
0x34: {  	_ =	swait.ge [sflag:s13], $0x80  }
0x35: {  	[sflag:s13] =	ssyncset.done $0x0  }
0x36: {  	[sflag:s13] =	ssyncadd.s32 $0xFFFFFF80  }
0x37: {  	_ =	sfence.sel $0x180000  }
0x38: {  	[bflag:$0x0] =	sbarrier.arrive $0xFFFF  }
0x39: {  	p0 =	sne.s32 s0, $0x0;
	_ =	strace $0x90000047  }
0x3a: {  	s0 =	sadd.s32 @!p0 $0x100000, s1;
	[bflag:$0x2] =	sbarrier.arrive $0xFFFF  }
0x3b: {  	[sflag:s0] =	ssyncadd.tile.s32 @!p0 $0x1;
	_ =	shalt  }
.Lfunc_end2:
_tile_overlayer_lowered:
.L_overlay_start_2:
0x3c: {  	(tag) =	ssettag $0x2  }
0x3d: {  	s0 =	rddreg [dreg:$0x0];
	s2 =	stileid.u32  }
0x3e: {  	s1 =	rddreg [dreg:$0x1];
	p0 =	sne.s32 s2, $0x0  }
0x3f: {  	s3 =	rddreg [dreg:$0x2];
	[bflag:$0x3] =	sbarrier.arrive $0xFFFF;
	s2 =	simm.s32 @!p0 $0x1C05  }
0x40: {  	[timem:s3], [sflag:s2] =	dma.local @!p0 [hbm:s0], s1  }
0x41: {  	s0 =	simm.s32 @!p0 $0x5  }
0x42: {  	_ =	swait.ge @!p0 [sflag:s0], s1  }
0x43: {  	s1 =	ssub.s32 @!p0 $0x0, s1;
	[sflag:s0] =	ssyncset.done @!p0 $0x0  }
0x44: {  	[sflag:s0] =	ssyncadd.s32 @!p0 s1  }
0x45: {  	[bflag:$0x3] =	sbarrier.arrive $0xFFFF  }
0x46: {  	_ =	shalt  }

</sc_bundles>
